<compile_context>
chip_gen: v7x
topology: tpu7x:2x2x1
jax: 0.10.2.dev20260603
libtpu: 0.0.44.dev20260713+nightly
codegen_flags: <defaults>
</compile_context>

<pallas_src>
import functools

import jax
import jax.numpy as jnp
from jax import lax
from jax.experimental import pallas as pl
from jax.experimental.pallas import tpu as pltpu
from jax.experimental.pallas import tpu_sc as plsc

_B, _D, _C = 16384, 128, 100
_MOM = 0.9

_NC, _NS = 2, 16
_NW = _NC * _NS
_RPW = _B // _NW
_CHUNK = 128
_NCHUNK = _RPW // _CHUNK
_CPAD = 128
_ZROWS = _CPAD // _NS


def _sc_segsum_body(emb_hbm, lab_hbm, psums_hbm,
                    emb_v0, emb_v1, emb_v2, emb_v3,
                    idx_v0, idx_v1, idx_v2, idx_v3, zrow_v, sums_sh,
                    sem0, sem1, sem2, sem3, ssem):
    cid = lax.axis_index("c")
    sid = lax.axis_index("s")
    base = (cid * _NS + sid) * _RPW

    embs = (emb_v0, emb_v1, emb_v2, emb_v3)
    idxs = (idx_v0, idx_v1, idx_v2, idx_v3)
    sems = (sem0, sem1, sem2, sem3)

    descs = []
    for k in range(_NCHUNK):
        off = base + k * _CHUNK
        descs.append((
            pltpu.async_copy(lab_hbm.at[pl.ds(off, _CHUNK)], idxs[k], sems[k]),
            pltpu.async_copy(emb_hbm.at[pl.ds(off, _CHUNK)], embs[k], sems[k]),
        ))

    zero16 = jnp.zeros((16,), jnp.float32)

    def _fill_zero(i, c):
        for j in range(_D // 16):
            zrow_v[i, pl.ds(j * 16, 16)] = zero16
        return c

    lax.fori_loop(0, _ZROWS, _fill_zero, 0)

    pltpu.sync_copy(zrow_v, sums_sh.at[pl.ds(sid * _ZROWS, _ZROWS)])
    plsc.subcore_barrier()

    scat = []
    for k in range(_NCHUNK):
        d1, d2 = descs[k]
        d1.wait()
        d2.wait()
        scat.append(pltpu.async_copy(embs[k], sums_sh.at[idxs[k]], ssem,
                                     add=True))
    for d in scat:
        d.wait()
    plsc.subcore_barrier()

    r0 = sid * _ZROWS
    pltpu.sync_copy(sums_sh.at[pl.ds(r0, _ZROWS)],
                    psums_hbm.at[cid, pl.ds(r0, _ZROWS)])


@functools.cache
def _sc_segsum():
    return pl.kernel(
        _sc_segsum_body,
        out_type=jax.ShapeDtypeStruct((_NC, _CPAD, _D), jnp.float32),
        mesh=plsc.VectorSubcoreMesh(core_axis_name="c", subcore_axis_name="s",
                                    num_cores=_NC, num_subcores=_NS),
        scratch_types=(
            [pltpu.VMEM((_CHUNK, _D), jnp.float32)] * _NCHUNK
            + [pltpu.VMEM((_CHUNK,), jnp.int32)] * _NCHUNK
            + [pltpu.VMEM((_ZROWS, _D), jnp.float32),
               pltpu.VMEM_SHARED((_CPAD, _D), jnp.float32)]
            + [pltpu.SemaphoreType.DMA] * (_NCHUNK + 1)
        ),
    )


_BLK = 2048
_NBLK = _B // _BLK
_MBLK = 4096
_NMBLK = _B // _MBLK


def _tc_counts_body(lab_ref, cnt_ref):
    i = pl.program_id(0)

    @pl.when(i == 0)
    def _():
        cnt_ref[...] = jnp.zeros((_CPAD, 1), jnp.float32)

    lab = lab_ref[0]
    oh = (jnp.broadcast_to(lab, (_CPAD, _BLK))
          == lax.broadcasted_iota(jnp.int32, (_CPAD, _BLK), 0))
    ones = jnp.ones((_BLK, 1), jnp.float32)
    cnt_ref[...] += lax.dot_general(oh.astype(jnp.float32), ones,
                                    (((1,), (0,)), ((), ())),
                                    preferred_element_type=jnp.float32)


_tc_counts = pl.pallas_call(
    _tc_counts_body,
    grid=(_NBLK,),
    in_specs=[pl.BlockSpec((1, 1, _BLK), lambda i: (i, 0, 0))],
    out_specs=pl.BlockSpec((_CPAD, 1), lambda i: (0, 0)),
    out_shape=jax.ShapeDtypeStruct((_CPAD, 1), jnp.float32),
)


def _tc_body(emb_ref, psums_ref, cnt_ref, proto_ref, init_ref,
             newp_ref, pred_ref, dist_ref):
    sums = psums_ref[0, :_C] + psums_ref[1, :_C]
    cnt = cnt_ref[...][:_C]
    cls_mean = sums / jnp.maximum(cnt, 1.0)
    present = cnt > 0.0
    initm = init_ref[...] > 0.0
    protos = proto_ref[...]
    ema = _MOM * protos + (1.0 - _MOM) * cls_mean
    upd = jnp.where(initm, ema, cls_mean)
    newp = jnp.where(present, upd, protos)
    newp_ref[...] = newp

    pn = jnp.sqrt(jnp.sum(newp * newp, axis=1, keepdims=True))
    pnorm = newp / jnp.maximum(pn, 1e-12)

    e = emb_ref[...]
    en = jnp.sqrt(jnp.sum(e * e, axis=1, keepdims=True))
    en_inv = e / jnp.maximum(en, 1e-12)

    simsT = lax.dot_general(pnorm, en_inv, (((1,), (1,)), ((), ())),
                            preferred_element_type=jnp.float32)
    m = jnp.max(simsT, axis=0, keepdims=True)
    pred = jnp.argmax(simsT, axis=0).astype(jnp.int32)[None, :]
    pred_ref[0] = pred
    dist_ref[0] = 1.0 - m


_tc_predict = pl.pallas_call(
    _tc_body,
    grid=(_NMBLK,),
    in_specs=[
        pl.BlockSpec((_MBLK, _D), lambda i: (i, 0)),
        pl.BlockSpec((_NC, _CPAD, _D), lambda i: (0, 0, 0)),
        pl.BlockSpec((_CPAD, 1), lambda i: (0, 0)),
        pl.BlockSpec((_C, _D), lambda i: (0, 0)),
        pl.BlockSpec((_C, 1), lambda i: (0, 0)),
    ],
    out_specs=[
        pl.BlockSpec((_C, _D), lambda i: (0, 0)),
        pl.BlockSpec((1, 1, _MBLK), lambda i: (i, 0, 0)),
        pl.BlockSpec((1, 1, _MBLK), lambda i: (i, 0, 0)),
    ],
    out_shape=[
        jax.ShapeDtypeStruct((_C, _D), jnp.float32),
        jax.ShapeDtypeStruct((_NMBLK, 1, _MBLK), jnp.int32),
        jax.ShapeDtypeStruct((_NMBLK, 1, _MBLK), jnp.float32),
    ],
)


def kernel(embeddings, labels, prototypes, initialized):
    psums = _sc_segsum()(embeddings, labels)
    lab3 = labels.reshape(_NBLK, 1, _BLK)
    cnts = _tc_counts(lab3)
    init_col = initialized.astype(jnp.float32).reshape(_C, 1)
    newp, pred2d, dist2d = _tc_predict(embeddings, psums, cnts,
                                       prototypes, init_col)
    return newp, pred2d.reshape(_B), dist2d.reshape(_B)

# --- scband reference (transcript-rebuilt; emitter-appended) ---
"""Pipeline reference for scband-prototype-layer-1116691497504 (READ-ONLY COPY).

The authoritative reference and input builder live on the scoring server;
editing this copy changes nothing except your own understanding.
"""

import jax, jax.numpy as jnp
import numpy as np

B = 16384
D = 128
C = 100
MOM = 0.9


def setup_inputs(seed: int = 0) -> dict:
    key = jax.random.key(seed)
    k1, k2, k3 = jax.random.split(key, 3)
    embeddings = jax.random.normal(k1, (B, D), dtype=jnp.float32)
    labels = jax.random.randint(k2, (B,), 0, C, dtype=jnp.int32)
    prototypes = jax.random.normal(k3, (C, D), dtype=jnp.float32)
    initialized = jnp.ones((C,), dtype=bool)
    return {"embeddings": embeddings, "labels": labels, "prototypes": prototypes, "initialized": initialized}


def _l2_normalize(x, axis=1, eps=1e-12):
    n = jnp.linalg.norm(x, axis=axis, keepdims=True)
    return x / jnp.maximum(n, eps)


def reference(embeddings, labels, prototypes, initialized):
    # --- update_prototypes: per-class mean via scatter-add (segment_sum), then EMA ---
    sums = jax.ops.segment_sum(embeddings, labels, num_segments=C)
    counts = jnp.bincount(labels, length=C)
    cls_mean = sums / jnp.maximum(counts, 1).astype(jnp.float32)[:, None]
    present = counts > 0
    # if initialized: EMA update; else: overwrite with class mean
    ema = MOM * prototypes + (1.0 - MOM) * cls_mean
    updated = jnp.where(initialized[:, None], ema, cls_mean)
    new_prototypes = jnp.where(present[:, None], updated, prototypes)
    new_initialized = jnp.logical_or(initialized, present)
    # --- predict_by_prototype: nearest-prototype cosine classifier ---
    emb_norm = _l2_normalize(embeddings, axis=1)
    proto_norm = _l2_normalize(new_prototypes, axis=1)
    sims = emb_norm @ proto_norm.T
    # mask out uninitialized classes (all initialized here, but keep faithful)
    sims = jnp.where(new_initialized[None, :], sims, -jnp.inf)
    max_sims = jnp.max(sims, axis=1)
    pred = jnp.argmax(sims, axis=1)
    distances = 1.0 - max_sims
    return new_prototypes, pred, distances

if __name__ == "__main__":
    import jax
    _d = setup_inputs()
    print(jax.jit(kernel)(*tuple(_d.values())))

</pallas_src>

<mosaic_0001>
#map = affine_map<(d0, d1) -> (0, 0)>
#map1 = affine_map<(d0, d1) -> (0)>
#map2 = affine_map<(d0, d1) -> (0, 0, 0)>
module attributes {stable_mosaic.version = 14 : i64} {
  func.func @_sc_segsum_body(%arg0: i32, %arg1: i32, %arg2: memref<16384x128xf32, #tpu.memory_space<hbm>>, %arg3: memref<16384xi32, #tpu.memory_space<hbm>>, %arg4: memref<2x128x128xf32, #tpu.memory_space<hbm>>, %arg5: memref<128x128xf32, #tpu.memory_space<vmem>>, %arg6: memref<128x128xf32, #tpu.memory_space<vmem>>, %arg7: memref<128x128xf32, #tpu.memory_space<vmem>>, %arg8: memref<128x128xf32, #tpu.memory_space<vmem>>, %arg9: memref<128xi32, #tpu.memory_space<vmem>>, %arg10: memref<128xi32, #tpu.memory_space<vmem>>, %arg11: memref<128xi32, #tpu.memory_space<vmem>>, %arg12: memref<128xi32, #tpu.memory_space<vmem>>, %arg13: memref<8x128xf32, #tpu.memory_space<vmem>>, %arg14: memref<128x128xf32, #tpu.memory_space<vmem_shared>>, %arg15: memref<!tpu.dma_semaphore, #tpu.memory_space<semaphore_mem>>, %arg16: memref<!tpu.dma_semaphore, #tpu.memory_space<semaphore_mem>>, %arg17: memref<!tpu.dma_semaphore, #tpu.memory_space<semaphore_mem>>, %arg18: memref<!tpu.dma_semaphore, #tpu.memory_space<semaphore_mem>>, %arg19: memref<!tpu.dma_semaphore, #tpu.memory_space<semaphore_mem>>) attributes {dimension_semantics = [#tpu.dimension_semantics<core_parallel>, #tpu.dimension_semantics<subcore_parallel>], iteration_bounds = array<i64: 2, 16>, scalar_prefetch = 0 : i64, scratch_operands = 15 : i64, tpu.core_type = #tpu.core_type<sc_vector_subcore>, window_params = [{transform_indices = #map}, {transform_indices = #map1}, {transform_indices = #map2}]} {
    %mul3A = arith.constant 16 : i32
    %mul3A_0 = arith.muli %arg0, %mul3A : i32
    %add3A = arith.addi %mul3A_0, %arg1 : i32
    %mul3A_1 = arith.constant 512 : i32
    %mul3A_2 = arith.muli %add3A, %mul3A_1 : i32
    %add3A_3 = arith.constant 0 : i32
    %add3A_4 = arith.addi %mul3A_2, %add3A_3 : i32
    %dma_start3A = tpu.memref_slice %arg3[%add3A_4] : memref<16384xi32, #tpu.memory_space<hbm>> -> memref<128xi32, #tpu.memory_space<hbm>>
    %dma_start3A_5 = tpu.memref_slice %arg3[%add3A_4] : memref<16384xi32, #tpu.memory_space<hbm>> -> memref<128xi32, #tpu.memory_space<hbm>>
    tpu.enqueue_dma source(%dma_start3A_5 : memref<128xi32, #tpu.memory_space<hbm>>) target(%arg9 : memref<128xi32, #tpu.memory_space<vmem>>) target_semaphore(%arg15 : memref<!tpu.dma_semaphore, #tpu.memory_space<semaphore_mem>>)
    %dma_start3A_6 = arith.constant 0 : i32
    %dma_start3A_7 = tpu.memref_slice %arg2[%add3A_4, %dma_start3A_6] : memref<16384x128xf32, #tpu.memory_space<hbm>> -> memref<128x128xf32, #tpu.memory_space<hbm>>
    %dma_start3A_8 = arith.constant 0 : i32
    %dma_start3A_9 = tpu.memref_slice %arg2[%add3A_4, %dma_start3A_8] : memref<16384x128xf32, #tpu.memory_space<hbm>> -> memref<128x128xf32, #tpu.memory_space<hbm>>
    tpu.enqueue_dma source(%dma_start3A_9 : memref<128x128xf32, #tpu.memory_space<hbm>>) target(%arg5 : memref<128x128xf32, #tpu.memory_space<vmem>>) target_semaphore(%arg15 : memref<!tpu.dma_semaphore, #tpu.memory_space<semaphore_mem>>)
    %add3A_10 = arith.constant 128 : i32
    %add3A_11 = arith.addi %mul3A_2, %add3A_10 : i32
    %dma_start3A_12 = tpu.memref_slice %arg3[%add3A_11] : memref<16384xi32, #tpu.memory_space<hbm>> -> memref<128xi32, #tpu.memory_space<hbm>>
    %dma_start3A_13 = tpu.memref_slice %arg3[%add3A_11] : memref<16384xi32, #tpu.memory_space<hbm>> -> memref<128xi32, #tpu.memory_space<hbm>>
    tpu.enqueue_dma source(%dma_start3A_13 : memref<128xi32, #tpu.memory_space<hbm>>) target(%arg10 : memref<128xi32, #tpu.memory_space<vmem>>) target_semaphore(%arg16 : memref<!tpu.dma_semaphore, #tpu.memory_space<semaphore_mem>>)
    %dma_start3A_14 = arith.constant 0 : i32
    %dma_start3A_15 = tpu.memref_slice %arg2[%add3A_11, %dma_start3A_14] : memref<16384x128xf32, #tpu.memory_space<hbm>> -> memref<128x128xf32, #tpu.memory_space<hbm>>
    %dma_start3A_16 = arith.constant 0 : i32
    %dma_start3A_17 = tpu.memref_slice %arg2[%add3A_11, %dma_start3A_16] : memref<16384x128xf32, #tpu.memory_space<hbm>> -> memref<128x128xf32, #tpu.memory_space<hbm>>
    tpu.enqueue_dma source(%dma_start3A_17 : memref<128x128xf32, #tpu.memory_space<hbm>>) target(%arg6 : memref<128x128xf32, #tpu.memory_space<vmem>>) target_semaphore(%arg16 : memref<!tpu.dma_semaphore, #tpu.memory_space<semaphore_mem>>)
    %add3A_18 = arith.constant 256 : i32
    %add3A_19 = arith.addi %mul3A_2, %add3A_18 : i32
    %dma_start3A_20 = tpu.memref_slice %arg3[%add3A_19] : memref<16384xi32, #tpu.memory_space<hbm>> -> memref<128xi32, #tpu.memory_space<hbm>>
    %dma_start3A_21 = tpu.memref_slice %arg3[%add3A_19] : memref<16384xi32, #tpu.memory_space<hbm>> -> memref<128xi32, #tpu.memory_space<hbm>>
    tpu.enqueue_dma source(%dma_start3A_21 : memref<128xi32, #tpu.memory_space<hbm>>) target(%arg11 : memref<128xi32, #tpu.memory_space<vmem>>) target_semaphore(%arg17 : memref<!tpu.dma_semaphore, #tpu.memory_space<semaphore_mem>>)
    %dma_start3A_22 = arith.constant 0 : i32
    %dma_start3A_23 = tpu.memref_slice %arg2[%add3A_19, %dma_start3A_22] : memref<16384x128xf32, #tpu.memory_space<hbm>> -> memref<128x128xf32, #tpu.memory_space<hbm>>
    %dma_start3A_24 = arith.constant 0 : i32
    %dma_start3A_25 = tpu.memref_slice %arg2[%add3A_19, %dma_start3A_24] : memref<16384x128xf32, #tpu.memory_space<hbm>> -> memref<128x128xf32, #tpu.memory_space<hbm>>
    tpu.enqueue_dma source(%dma_start3A_25 : memref<128x128xf32, #tpu.memory_space<hbm>>) target(%arg7 : memref<128x128xf32, #tpu.memory_space<vmem>>) target_semaphore(%arg17 : memref<!tpu.dma_semaphore, #tpu.memory_space<semaphore_mem>>)
    %add3A_26 = arith.constant 384 : i32
    %add3A_27 = arith.addi %mul3A_2, %add3A_26 : i32
    %dma_start3A_28 = tpu.memref_slice %arg3[%add3A_27] : memref<16384xi32, #tpu.memory_space<hbm>> -> memref<128xi32, #tpu.memory_space<hbm>>
    %dma_start3A_29 = tpu.memref_slice %arg3[%add3A_27] : memref<16384xi32, #tpu.memory_space<hbm>> -> memref<128xi32, #tpu.memory_space<hbm>>
    tpu.enqueue_dma source(%dma_start3A_29 : memref<128xi32, #tpu.memory_space<hbm>>) target(%arg12 : memref<128xi32, #tpu.memory_space<vmem>>) target_semaphore(%arg18 : memref<!tpu.dma_semaphore, #tpu.memory_space<semaphore_mem>>)
    %dma_start3A_30 = arith.constant 0 : i32
    %dma_start3A_31 = tpu.memref_slice %arg2[%add3A_27, %dma_start3A_30] : memref<16384x128xf32, #tpu.memory_space<hbm>> -> memref<128x128xf32, #tpu.memory_space<hbm>>
    %dma_start3A_32 = arith.constant 0 : i32
    %dma_start3A_33 = tpu.memref_slice %arg2[%add3A_27, %dma_start3A_32] : memref<16384x128xf32, #tpu.memory_space<hbm>> -> memref<128x128xf32, #tpu.memory_space<hbm>>
    tpu.enqueue_dma source(%dma_start3A_33 : memref<128x128xf32, #tpu.memory_space<hbm>>) target(%arg8 : memref<128x128xf32, #tpu.memory_space<vmem>>) target_semaphore(%arg18 : memref<!tpu.dma_semaphore, #tpu.memory_space<semaphore_mem>>)
    %broadcast_in_dim3A = arith.constant 0.000000e+00 : f32
    %broadcast_in_dim3A_34 = vector.broadcast %broadcast_in_dim3A : f32 to vector<16xf32>
    %scan3A = arith.constant 0 : i32
    %scan3A_35 = arith.constant 0 : i32
    %scan3A_36 = arith.constant 8 : i32
    %scan3A_37 = arith.addi %scan3A_35, %scan3A_36 : i32
    %scan3A_38 = arith.constant 1 : i32
    scf.for %scan3A_92 = %scan3A_35 to %scan3A_37 step %scan3A_38  : i32 {
      %swap3A = arith.index_cast %scan3A_92 : i32 to index
      %swap3A_93 = arith.constant 0 : index
      %swap3A_94 = tpu.vector_load %arg13[%swap3A, %swap3A_93] {strides = array<i32>} : memref<8x128xf32, #tpu.memory_space<vmem>>, vector<1x16xf32>,
      %swap3A_95 = vector.shape_cast %swap3A_94 : vector<1x16xf32> to vector<16xf32>
      %swap3A_96 = vector.shape_cast %broadcast_in_dim3A_34 : vector<16xf32> to vector<1x16xf32>
      tpu.vector_store %arg13[%swap3A, %swap3A_93], %swap3A_96 {strides = array<i32>} : memref<8x128xf32, #tpu.memory_space<vmem>>, vector<1x16xf32>,
      %swap3A_97 = arith.index_cast %scan3A_92 : i32 to index
      %swap3A_98 = arith.constant 16 : index
      %swap3A_99 = tpu.vector_load %arg13[%swap3A_97, %swap3A_98] {strides = array<i32>} : memref<8x128xf32, #tpu.memory_space<vmem>>, vector<1x16xf32>,
      %swap3A_100 = vector.shape_cast %swap3A_99 : vector<1x16xf32> to vector<16xf32>
      %swap3A_101 = vector.shape_cast %broadcast_in_dim3A_34 : vector<16xf32> to vector<1x16xf32>
      tpu.vector_store %arg13[%swap3A_97, %swap3A_98], %swap3A_101 {strides = array<i32>} : memref<8x128xf32, #tpu.memory_space<vmem>>, vector<1x16xf32>,
      %swap3A_102 = arith.index_cast %scan3A_92 : i32 to index
      %swap3A_103 = arith.constant 32 : index
      %swap3A_104 = tpu.vector_load %arg13[%swap3A_102, %swap3A_103] {strides = array<i32>} : memref<8x128xf32, #tpu.memory_space<vmem>>, vector<1x16xf32>,
      %swap3A_105 = vector.shape_cast %swap3A_104 : vector<1x16xf32> to vector<16xf32>
      %swap3A_106 = vector.shape_cast %broadcast_in_dim3A_34 : vector<16xf32> to vector<1x16xf32>
      tpu.vector_store %arg13[%swap3A_102, %swap3A_103], %swap3A_106 {strides = array<i32>} : memref<8x128xf32, #tpu.memory_space<vmem>>, vector<1x16xf32>,
      %swap3A_107 = arith.index_cast %scan3A_92 : i32 to index
      %swap3A_108 = arith.constant 48 : index
      %swap3A_109 = tpu.vector_load %arg13[%swap3A_107, %swap3A_108] {strides = array<i32>} : memref<8x128xf32, #tpu.memory_space<vmem>>, vector<1x16xf32>,
      %swap3A_110 = vector.shape_cast %swap3A_109 : vector<1x16xf32> to vector<16xf32>
      %swap3A_111 = vector.shape_cast %broadcast_in_dim3A_34 : vector<16xf32> to vector<1x16xf32>
      tpu.vector_store %arg13[%swap3A_107, %swap3A_108], %swap3A_111 {strides = array<i32>} : memref<8x128xf32, #tpu.memory_space<vmem>>, vector<1x16xf32>,
      %swap3A_112 = arith.index_cast %scan3A_92 : i32 to index
      %swap3A_113 = arith.constant 64 : index
      %swap3A_114 = tpu.vector_load %arg13[%swap3A_112, %swap3A_113] {strides = array<i32>} : memref<8x128xf32, #tpu.memory_space<vmem>>, vector<1x16xf32>,
      %swap3A_115 = vector.shape_cast %swap3A_114 : vector<1x16xf32> to vector<16xf32>
      %swap3A_116 = vector.shape_cast %broadcast_in_dim3A_34 : vector<16xf32> to vector<1x16xf32>
      tpu.vector_store %arg13[%swap3A_112, %swap3A_113], %swap3A_116 {strides = array<i32>} : memref<8x128xf32, #tpu.memory_space<vmem>>, vector<1x16xf32>,
      %swap3A_117 = arith.index_cast %scan3A_92 : i32 to index
      %swap3A_118 = arith.constant 80 : index
      %swap3A_119 = tpu.vector_load %arg13[%swap3A_117, %swap3A_118] {strides = array<i32>} : memref<8x128xf32, #tpu.memory_space<vmem>>, vector<1x16xf32>,
      %swap3A_120 = vector.shape_cast %swap3A_119 : vector<1x16xf32> to vector<16xf32>
      %swap3A_121 = vector.shape_cast %broadcast_in_dim3A_34 : vector<16xf32> to vector<1x16xf32>
      tpu.vector_store %arg13[%swap3A_117, %swap3A_118], %swap3A_121 {strides = array<i32>} : memref<8x128xf32, #tpu.memory_space<vmem>>, vector<1x16xf32>,
      %swap3A_122 = arith.index_cast %scan3A_92 : i32 to index
      %swap3A_123 = arith.constant 96 : index
      %swap3A_124 = tpu.vector_load %arg13[%swap3A_122, %swap3A_123] {strides = array<i32>} : memref<8x128xf32, #tpu.memory_space<vmem>>, vector<1x16xf32>,
      %swap3A_125 = vector.shape_cast %swap3A_124 : vector<1x16xf32> to vector<16xf32>
      %swap3A_126 = vector.shape_cast %broadcast_in_dim3A_34 : vector<16xf32> to vector<1x16xf32>
      tpu.vector_store %arg13[%swap3A_122, %swap3A_123], %swap3A_126 {strides = array<i32>} : memref<8x128xf32, #tpu.memory_space<vmem>>, vector<1x16xf32>,
      %swap3A_127 = arith.index_cast %scan3A_92 : i32 to index
      %swap3A_128 = arith.constant 112 : index
      %swap3A_129 = tpu.vector_load %arg13[%swap3A_127, %swap3A_128] {strides = array<i32>} : memref<8x128xf32, #tpu.memory_space<vmem>>, vector<1x16xf32>,
      %swap3A_130 = vector.shape_cast %swap3A_129 : vector<1x16xf32> to vector<16xf32>
      %swap3A_131 = vector.shape_cast %broadcast_in_dim3A_34 : vector<16xf32> to vector<1x16xf32>
      tpu.vector_store %arg13[%swap3A_127, %swap3A_128], %swap3A_131 {strides = array<i32>} : memref<8x128xf32, #tpu.memory_space<vmem>>, vector<1x16xf32>,
    }
    %scan3A_39 = arith.constant 8 : i32
    %mul3A_40 = arith.constant 8 : i32
    %mul3A_41 = arith.muli %arg1, %mul3A_40 : i32
    "tpu.region"() ({
      %run_scoped3A = tpu.sem_alloc : memref<!tpu.dma_semaphore, #tpu.memory_space<semaphore_mem>>
      %dma_start3A_92 = arith.constant 0 : i32
      %dma_start3A_93 = tpu.memref_slice %arg14[%mul3A_41, %dma_start3A_92] : memref<128x128xf32, #tpu.memory_space<vmem_shared>> -> memref<8x128xf32, #tpu.memory_space<vmem_shared>>
      %dma_start3A_94 = arith.constant 0 : i32
      %dma_start3A_95 = tpu.memref_slice %arg14[%mul3A_41, %dma_start3A_94] : memref<128x128xf32, #tpu.memory_space<vmem_shared>> -> memref<8x128xf32, #tpu.memory_space<vmem_shared>>
      tpu.enqueue_dma source(%arg13 : memref<8x128xf32, #tpu.memory_space<vmem>>) target(%dma_start3A_95 : memref<8x128xf32, #tpu.memory_space<vmem_shared>>) target_semaphore(%run_scoped3A : memref<!tpu.dma_semaphore, #tpu.memory_space<semaphore_mem>>)
      %dma_wait3A_96 = arith.constant 0 : i32
      %dma_wait3A_97 = tpu.memref_slice %arg14[%mul3A_41, %dma_wait3A_96] : memref<128x128xf32, #tpu.memory_space<vmem_shared>> -> memref<8x128xf32, #tpu.memory_space<vmem_shared>>
      %dma_wait3A_98 = arith.constant 0 : i32
      %dma_wait3A_99 = tpu.memref_slice %arg14[%mul3A_41, %dma_wait3A_98] : memref<128x128xf32, #tpu.memory_space<vmem_shared>> -> memref<8x128xf32, #tpu.memory_space<vmem_shared>>
      tpu.wait_dma2 semaphore(%run_scoped3A : memref<!tpu.dma_semaphore, #tpu.memory_space<semaphore_mem>>) src(%arg13 : memref<8x128xf32, #tpu.memory_space<vmem>>) dst(%dma_wait3A_99 : memref<8x128xf32, #tpu.memory_space<vmem_shared>>)
      tpu.yield
    }) : () -> ()
    %barrier3A = arith.constant 0 : index
    tpu.barrier barrier_id(%barrier3A)
    %dma_wait3A = tpu.memref_slice %arg3[%add3A_4] : memref<16384xi32, #tpu.memory_space<hbm>> -> memref<128xi32, #tpu.memory_space<hbm>>
    %dma_wait3A_42 = tpu.memref_slice %arg3[%add3A_4] : memref<16384xi32, #tpu.memory_space<hbm>> -> memref<128xi32, #tpu.memory_space<hbm>>
    tpu.wait_dma2 semaphore(%arg15 : memref<!tpu.dma_semaphore, #tpu.memory_space<semaphore_mem>>) src(%dma_wait3A_42 : memref<128xi32, #tpu.memory_space<hbm>>) dst(%arg9 : memref<128xi32, #tpu.memory_space<vmem>>)
    %dma_wait3A_43 = arith.constant 0 : i32
    %dma_wait3A_44 = tpu.memref_slice %arg2[%add3A_4, %dma_wait3A_43] : memref<16384x128xf32, #tpu.memory_space<hbm>> -> memref<128x128xf32, #tpu.memory_space<hbm>>
    %dma_wait3A_45 = arith.constant 0 : i32
    %dma_wait3A_46 = tpu.memref_slice %arg2[%add3A_4, %dma_wait3A_45] : memref<16384x128xf32, #tpu.memory_space<hbm>> -> memref<128x128xf32, #tpu.memory_space<hbm>>
    tpu.wait_dma2 semaphore(%arg15 : memref<!tpu.dma_semaphore, #tpu.memory_space<semaphore_mem>>) src(%dma_wait3A_46 : memref<128x128xf32, #tpu.memory_space<hbm>>) dst(%arg5 : memref<128x128xf32, #tpu.memory_space<vmem>>)
    %dma_start3A_47 = arith.constant 0 : i32
    %dma_start3A_48 = arith.constant 0 : i32
    %dma_start3A_49 = tpu.memref_slice %arg14[%dma_start3A_47, %dma_start3A_48] : memref<128x128xf32, #tpu.memory_space<vmem_shared>> -> memref<128x128xf32, #tpu.memory_space<vmem_shared>>
    tpu.enqueue_indirect_dma source(%arg5 : memref<128x128xf32, #tpu.memory_space<vmem>>) target(%dma_start3A_49 : memref<128x128xf32, #tpu.memory_space<vmem_shared>>) offsets(%arg9 : memref<128xi32, #tpu.memory_space<vmem>>) semaphore(%arg19 : memref<!tpu.dma_semaphore, #tpu.memory_space<semaphore_mem>>) {add = true}
    %dma_wait3A_50 = tpu.memref_slice %arg3[%add3A_11] : memref<16384xi32, #tpu.memory_space<hbm>> -> memref<128xi32, #tpu.memory_space<hbm>>
    %dma_wait3A_51 = tpu.memref_slice %arg3[%add3A_11] : memref<16384xi32, #tpu.memory_space<hbm>> -> memref<128xi32, #tpu.memory_space<hbm>>
    tpu.wait_dma2 semaphore(%arg16 : memref<!tpu.dma_semaphore, #tpu.memory_space<semaphore_mem>>) src(%dma_wait3A_51 : memref<128xi32, #tpu.memory_space<hbm>>) dst(%arg10 : memref<128xi32, #tpu.memory_space<vmem>>)
    %dma_wait3A_52 = arith.constant 0 : i32
    %dma_wait3A_53 = tpu.memref_slice %arg2[%add3A_11, %dma_wait3A_52] : memref<16384x128xf32, #tpu.memory_space<hbm>> -> memref<128x128xf32, #tpu.memory_space<hbm>>
    %dma_wait3A_54 = arith.constant 0 : i32
    %dma_wait3A_55 = tpu.memref_slice %arg2[%add3A_11, %dma_wait3A_54] : memref<16384x128xf32, #tpu.memory_space<hbm>> -> memref<128x128xf32, #tpu.memory_space<hbm>>
    tpu.wait_dma2 semaphore(%arg16 : memref<!tpu.dma_semaphore, #tpu.memory_space<semaphore_mem>>) src(%dma_wait3A_55 : memref<128x128xf32, #tpu.memory_space<hbm>>) dst(%arg6 : memref<128x128xf32, #tpu.memory_space<vmem>>)
    %dma_start3A_56 = arith.constant 0 : i32
    %dma_start3A_57 = arith.constant 0 : i32
    %dma_start3A_58 = tpu.memref_slice %arg14[%dma_start3A_56, %dma_start3A_57] : memref<128x128xf32, #tpu.memory_space<vmem_shared>> -> memref<128x128xf32, #tpu.memory_space<vmem_shared>>
    tpu.enqueue_indirect_dma source(%arg6 : memref<128x128xf32, #tpu.memory_space<vmem>>) target(%dma_start3A_58 : memref<128x128xf32, #tpu.memory_space<vmem_shared>>) offsets(%arg10 : memref<128xi32, #tpu.memory_space<vmem>>) semaphore(%arg19 : memref<!tpu.dma_semaphore, #tpu.memory_space<semaphore_mem>>) {add = true}
    %dma_wait3A_59 = tpu.memref_slice %arg3[%add3A_19] : memref<16384xi32, #tpu.memory_space<hbm>> -> memref<128xi32, #tpu.memory_space<hbm>>
    %dma_wait3A_60 = tpu.memref_slice %arg3[%add3A_19] : memref<16384xi32, #tpu.memory_space<hbm>> -> memref<128xi32, #tpu.memory_space<hbm>>
    tpu.wait_dma2 semaphore(%arg17 : memref<!tpu.dma_semaphore, #tpu.memory_space<semaphore_mem>>) src(%dma_wait3A_60 : memref<128xi32, #tpu.memory_space<hbm>>) dst(%arg11 : memref<128xi32, #tpu.memory_space<vmem>>)
    %dma_wait3A_61 = arith.constant 0 : i32
    %dma_wait3A_62 = tpu.memref_slice %arg2[%add3A_19, %dma_wait3A_61] : memref<16384x128xf32, #tpu.memory_space<hbm>> -> memref<128x128xf32, #tpu.memory_space<hbm>>
    %dma_wait3A_63 = arith.constant 0 : i32
    %dma_wait3A_64 = tpu.memref_slice %arg2[%add3A_19, %dma_wait3A_63] : memref<16384x128xf32, #tpu.memory_space<hbm>> -> memref<128x128xf32, #tpu.memory_space<hbm>>
    tpu.wait_dma2 semaphore(%arg17 : memref<!tpu.dma_semaphore, #tpu.memory_space<semaphore_mem>>) src(%dma_wait3A_64 : memref<128x128xf32, #tpu.memory_space<hbm>>) dst(%arg7 : memref<128x128xf32, #tpu.memory_space<vmem>>)
    %dma_start3A_65 = arith.constant 0 : i32
    %dma_start3A_66 = arith.constant 0 : i32
    %dma_start3A_67 = tpu.memref_slice %arg14[%dma_start3A_65, %dma_start3A_66] : memref<128x128xf32, #tpu.memory_space<vmem_shared>> -> memref<128x128xf32, #tpu.memory_space<vmem_shared>>
    tpu.enqueue_indirect_dma source(%arg7 : memref<128x128xf32, #tpu.memory_space<vmem>>) target(%dma_start3A_67 : memref<128x128xf32, #tpu.memory_space<vmem_shared>>) offsets(%arg11 : memref<128xi32, #tpu.memory_space<vmem>>) semaphore(%arg19 : memref<!tpu.dma_semaphore, #tpu.memory_space<semaphore_mem>>) {add = true}
    %dma_wait3A_68 = tpu.memref_slice %arg3[%add3A_27] : memref<16384xi32, #tpu.memory_space<hbm>> -> memref<128xi32, #tpu.memory_space<hbm>>
    %dma_wait3A_69 = tpu.memref_slice %arg3[%add3A_27] : memref<16384xi32, #tpu.memory_space<hbm>> -> memref<128xi32, #tpu.memory_space<hbm>>
    tpu.wait_dma2 semaphore(%arg18 : memref<!tpu.dma_semaphore, #tpu.memory_space<semaphore_mem>>) src(%dma_wait3A_69 : memref<128xi32, #tpu.memory_space<hbm>>) dst(%arg12 : memref<128xi32, #tpu.memory_space<vmem>>)
    %dma_wait3A_70 = arith.constant 0 : i32
    %dma_wait3A_71 = tpu.memref_slice %arg2[%add3A_27, %dma_wait3A_70] : memref<16384x128xf32, #tpu.memory_space<hbm>> -> memref<128x128xf32, #tpu.memory_space<hbm>>
    %dma_wait3A_72 = arith.constant 0 : i32
    %dma_wait3A_73 = tpu.memref_slice %arg2[%add3A_27, %dma_wait3A_72] : memref<16384x128xf32, #tpu.memory_space<hbm>> -> memref<128x128xf32, #tpu.memory_space<hbm>>
    tpu.wait_dma2 semaphore(%arg18 : memref<!tpu.dma_semaphore, #tpu.memory_space<semaphore_mem>>) src(%dma_wait3A_73 : memref<128x128xf32, #tpu.memory_space<hbm>>) dst(%arg8 : memref<128x128xf32, #tpu.memory_space<vmem>>)
    %dma_start3A_74 = arith.constant 0 : i32
    %dma_start3A_75 = arith.constant 0 : i32
    %dma_start3A_76 = tpu.memref_slice %arg14[%dma_start3A_74, %dma_start3A_75] : memref<128x128xf32, #tpu.memory_space<vmem_shared>> -> memref<128x128xf32, #tpu.memory_space<vmem_shared>>
    tpu.enqueue_indirect_dma source(%arg8 : memref<128x128xf32, #tpu.memory_space<vmem>>) target(%dma_start3A_76 : memref<128x128xf32, #tpu.memory_space<vmem_shared>>) offsets(%arg12 : memref<128xi32, #tpu.memory_space<vmem>>) semaphore(%arg19 : memref<!tpu.dma_semaphore, #tpu.memory_space<semaphore_mem>>) {add = true}
    %dma_wait3A_77 = arith.constant 0 : i32
    %dma_wait3A_78 = arith.constant 0 : i32
    %dma_wait3A_79 = tpu.memref_slice %arg14[%dma_wait3A_77, %dma_wait3A_78] : memref<128x128xf32, #tpu.memory_space<vmem_shared>> -> memref<128x128xf32, #tpu.memory_space<vmem_shared>>
    tpu.wait_indirect_dma semaphore(%arg19 : memref<!tpu.dma_semaphore, #tpu.memory_space<semaphore_mem>>) src(%arg5 : memref<128x128xf32, #tpu.memory_space<vmem>>) dst(%dma_wait3A_79 : memref<128x128xf32, #tpu.memory_space<vmem_shared>>)
    %dma_wait3A_80 = arith.constant 0 : i32
    %dma_wait3A_81 = arith.constant 0 : i32
    %dma_wait3A_82 = tpu.memref_slice %arg14[%dma_wait3A_80, %dma_wait3A_81] : memref<128x128xf32, #tpu.memory_space<vmem_shared>> -> memref<128x128xf32, #tpu.memory_space<vmem_shared>>
    tpu.wait_indirect_dma semaphore(%arg19 : memref<!tpu.dma_semaphore, #tpu.memory_space<semaphore_mem>>) src(%arg6 : memref<128x128xf32, #tpu.memory_space<vmem>>) dst(%dma_wait3A_82 : memref<128x128xf32, #tpu.memory_space<vmem_shared>>)
    %dma_wait3A_83 = arith.constant 0 : i32
    %dma_wait3A_84 = arith.constant 0 : i32
    %dma_wait3A_85 = tpu.memref_slice %arg14[%dma_wait3A_83, %dma_wait3A_84] : memref<128x128xf32, #tpu.memory_space<vmem_shared>> -> memref<128x128xf32, #tpu.memory_space<vmem_shared>>
    tpu.wait_indirect_dma semaphore(%arg19 : memref<!tpu.dma_semaphore, #tpu.memory_space<semaphore_mem>>) src(%arg7 : memref<128x128xf32, #tpu.memory_space<vmem>>) dst(%dma_wait3A_85 : memref<128x128xf32, #tpu.memory_space<vmem_shared>>)
    %dma_wait3A_86 = arith.constant 0 : i32
    %dma_wait3A_87 = arith.constant 0 : i32
    %dma_wait3A_88 = tpu.memref_slice %arg14[%dma_wait3A_86, %dma_wait3A_87] : memref<128x128xf32, #tpu.memory_space<vmem_shared>> -> memref<128x128xf32, #tpu.memory_space<vmem_shared>>
    tpu.wait_indirect_dma semaphore(%arg19 : memref<!tpu.dma_semaphore, #tpu.memory_space<semaphore_mem>>) src(%arg8 : memref<128x128xf32, #tpu.memory_space<vmem>>) dst(%dma_wait3A_88 : memref<128x128xf32, #tpu.memory_space<vmem_shared>>)
    %barrier3A_89 = arith.constant 0 : index
    tpu.barrier barrier_id(%barrier3A_89)
    %mul3A_90 = arith.constant 8 : i32
    %mul3A_91 = arith.muli %arg1, %mul3A_90 : i32
    "tpu.region"() ({
      %run_scoped3A = tpu.sem_alloc : memref<!tpu.dma_semaphore, #tpu.memory_space<semaphore_mem>>
      %dma_start3A_92 = arith.constant 0 : i32
      %dma_start3A_93 = tpu.memref_slice %arg4[%arg0, %mul3A_91, %dma_start3A_92] : memref<2x128x128xf32, #tpu.memory_space<hbm>> -> memref<1x8x128xf32, #tpu.memory_space<hbm>>
      %dma_start3A_94 = tpu.memref_squeeze %dma_start3A_93 : memref<1x8x128xf32, #tpu.memory_space<hbm>> -> memref<8x128xf32, #tpu.memory_space<hbm>>
      %dma_start3A_95 = arith.constant 0 : i32
      %dma_start3A_96 = tpu.memref_slice %arg14[%mul3A_91, %dma_start3A_95] : memref<128x128xf32, #tpu.memory_space<vmem_shared>> -> memref<8x128xf32, #tpu.memory_space<vmem_shared>>
      tpu.enqueue_dma source(%dma_start3A_96 : memref<8x128xf32, #tpu.memory_space<vmem_shared>>) target(%dma_start3A_94 : memref<8x128xf32, #tpu.memory_space<hbm>>) target_semaphore(%run_scoped3A : memref<!tpu.dma_semaphore, #tpu.memory_space<semaphore_mem>>)
      %dma_wait3A_97 = arith.constant 0 : i32
      %dma_wait3A_98 = tpu.memref_slice %arg4[%arg0, %mul3A_91, %dma_wait3A_97] : memref<2x128x128xf32, #tpu.memory_space<hbm>> -> memref<1x8x128xf32, #tpu.memory_space<hbm>>
      %dma_wait3A_99 = tpu.memref_squeeze %dma_wait3A_98 : memref<1x8x128xf32, #tpu.memory_space<hbm>> -> memref<8x128xf32, #tpu.memory_space<hbm>>
      %dma_wait3A_100 = arith.constant 0 : i32
      %dma_wait3A_101 = tpu.memref_slice %arg14[%mul3A_91, %dma_wait3A_100] : memref<128x128xf32, #tpu.memory_space<vmem_shared>> -> memref<8x128xf32, #tpu.memory_space<vmem_shared>>
      tpu.wait_dma2 semaphore(%run_scoped3A : memref<!tpu.dma_semaphore, #tpu.memory_space<semaphore_mem>>) src(%dma_wait3A_101 : memref<8x128xf32, #tpu.memory_space<vmem_shared>>) dst(%dma_wait3A_99 : memref<8x128xf32, #tpu.memory_space<hbm>>)
      tpu.yield
    }) : () -> ()
    return
  }
}

module attributes {stable_mosaic.version = 14 : i64} {
  func.func @_tc_counts_body(%arg0: i32, %arg1: memref<1x1x2048xi32, #tpu.memory_space<vmem>>, %arg2: memref<128x1xf32, #tpu.memory_space<vmem>>) attributes {dimension_semantics = [#tpu.dimension_semantics<arbitrary>], iteration_bounds = array<i64: 8>, scalar_prefetch = 0 : i64, scratch_operands = 0 : i64, tpu.core_type = #tpu.core_type<tc>, window_params = [{transform_indices = @transform_0, window_bounds = array<i64: 1, 1, 2048>}, {pipeline_mode = #tpu.pipeline_mode<synchronous>, transform_indices = @transform_1, window_bounds = array<i64: 128, 1>}]} {
    %eq3A = arith.constant 0 : i32
    %eq3A_0 = arith.cmpi eq, %arg0, %eq3A : i32
    %convert_element_type3A = arith.extui %eq3A_0 : i1 to i32
    %cond3A = arith.constant 0 : i32
    %cond3A_1 = arith.cmpi ne, %convert_element_type3A, %cond3A : i32
    scf.if %cond3A_1 {
      %broadcast_in_dim3A_18 = arith.constant 0.000000e+00 : f32
      %broadcast_in_dim3A_19 = vector.broadcast %broadcast_in_dim3A_18 : f32 to vector<128x1xf32>
      %swap3A_20 = arith.constant 0 : index
      %swap3A_21 = arith.constant 0 : index
      %swap3A_22 = vector.load %arg2[%swap3A_20, %swap3A_21] : memref<128x1xf32, #tpu.memory_space<vmem>>, vector<128x1xf32>
      tpu.vector_store %arg2[%swap3A_20, %swap3A_21], %broadcast_in_dim3A_19 {strides = array<i32>} : memref<128x1xf32, #tpu.memory_space<vmem>>, vector<128x1xf32>,
    } else {
    }
    %get3A = arith.constant 0 : index
    %get3A_2 = arith.constant 0 : index
    %get3A_3 = arith.constant 0 : index
    %get3A_4 = vector.load %arg1[%get3A, %get3A_2, %get3A_3] : memref<1x1x2048xi32, #tpu.memory_space<vmem>>, vector<1x1x2048xi32>
    %get3A_5 = vector.shape_cast %get3A_4 : vector<1x1x2048xi32> to vector<1x2048xi32>
    %broadcast_in_dim3A = vector.shape_cast %get3A_5 : vector<1x2048xi32> to vector<1x2048xi32>
    %broadcast_in_dim3A_6 = vector.broadcast %broadcast_in_dim3A : vector<1x2048xi32> to vector<128x2048xi32>
    %iota3A = tpu.iota {dimensions = array<i32: 0>} : vector<128x2048xi32>
    %eq3A_7 = arith.cmpi eq, %broadcast_in_dim3A_6, %iota3A : vector<128x2048xi32>
    %broadcast_in_dim3A_8 = arith.constant 1.000000e+00 : f32
    %broadcast_in_dim3A_9 = vector.broadcast %broadcast_in_dim3A_8 : f32 to vector<2048x1xf32>
    %get3A_10 = arith.constant 0 : index
    %get3A_11 = arith.constant 0 : index
    %get3A_12 = vector.load %arg2[%get3A_10, %get3A_11] : memref<128x1xf32, #tpu.memory_space<vmem>>, vector<128x1xf32>
    %convert_element_type3A_13 = arith.extui %eq3A_7 : vector<128x2048xi1> to vector<128x2048xi32>
    %convert_element_type3A_14 = arith.sitofp %convert_element_type3A_13 : vector<128x2048xi32> to vector<128x2048xf32>
    %dot_general3A = arith.constant dense<0.000000e+00> : vector<128x1xf32>
    %dot_general3A_15 = tpu.matmul %convert_element_type3A_14, %broadcast_in_dim3A_9, %dot_general3A {dimension_numbers = #tpu.dot_dimension_numbers<[1], [0], [0], [1], [0, 0, 1, 1], [], []>, transpose_lhs_hint = false} : vector<128x2048xf32>, vector<2048x1xf32>, vector<128x1xf32> -> vector<128x1xf32>
    %add3A = arith.addf %get3A_12, %dot_general3A_15 : vector<128x1xf32>
    %swap3A = arith.constant 0 : index
    %swap3A_16 = arith.constant 0 : index
    %swap3A_17 = vector.load %arg2[%swap3A, %swap3A_16] : memref<128x1xf32, #tpu.memory_space<vmem>>, vector<128x1xf32>
    tpu.vector_store %arg2[%swap3A, %swap3A_16], %add3A {strides = array<i32>} : memref<128x1xf32, #tpu.memory_space<vmem>>, vector<128x1xf32>,
    return
  }
  func.func @transform_0(%arg0: i32) -> (i32, i32, i32) {
    %c0_i32 = arith.constant 0 : i32
    %c0_i32_0 = arith.constant 0 : i32
    %c0_i32_1 = arith.constant 0 : i32
    return %arg0, %c0_i32, %c0_i32_0 : i32, i32, i32
  }
  func.func @transform_1(%arg0: i32) -> (i32, i32) {
    %c0_i32 = arith.constant 0 : i32
    %c0_i32_0 = arith.constant 0 : i32
    %c0_i32_1 = arith.constant 0 : i32
    return %c0_i32, %c0_i32_0 : i32, i32
  }
}

module attributes {stable_mosaic.version = 14 : i64} {
  func.func @_tc_body(%arg0: i32, %arg1: memref<4096x128xf32, #tpu.memory_space<vmem>>, %arg2: memref<2x128x128xf32, #tpu.memory_space<vmem>>, %arg3: memref<128x1xf32, #tpu.memory_space<vmem>>, %arg4: memref<100x128xf32, #tpu.memory_space<vmem>>, %arg5: memref<100x1xf32, #tpu.memory_space<vmem>>, %arg6: memref<100x128xf32, #tpu.memory_space<vmem>>, %arg7: memref<1x1x4096xi32, #tpu.memory_space<vmem>>, %arg8: memref<1x1x4096xf32, #tpu.memory_space<vmem>>) attributes {dimension_semantics = [#tpu.dimension_semantics<arbitrary>], iteration_bounds = array<i64: 4>, scalar_prefetch = 0 : i64, scratch_operands = 0 : i64, tpu.core_type = #tpu.core_type<tc>, window_params = [{transform_indices = @transform_0, window_bounds = array<i64: 4096, 128>}, {pipeline_mode = #tpu.pipeline_mode<synchronous>, transform_indices = @transform_1, window_bounds = array<i64: 2, 128, 128>}, {pipeline_mode = #tpu.pipeline_mode<synchronous>, transform_indices = @transform_2, window_bounds = array<i64: 128, 1>}, {pipeline_mode = #tpu.pipeline_mode<synchronous>, transform_indices = @transform_3, window_bounds = array<i64: 100, 128>}, {pipeline_mode = #tpu.pipeline_mode<synchronous>, transform_indices = @transform_4, window_bounds = array<i64: 100, 1>}, {pipeline_mode = #tpu.pipeline_mode<synchronous>, transform_indices = @transform_5, window_bounds = array<i64: 100, 128>}, {transform_indices = @transform_6, window_bounds = array<i64: 1, 1, 4096>}, {transform_indices = @transform_7, window_bounds = array<i64: 1, 1, 4096>}]} {
    %get3A = arith.constant 0 : index
    %get3A_0 = arith.constant 0 : index
    %get3A_1 = arith.constant 0 : index
    %get3A_2 = vector.load %arg2[%get3A, %get3A_0, %get3A_1] : memref<2x128x128xf32, #tpu.memory_space<vmem>>, vector<1x100x128xf32>
    %get3A_3 = vector.shape_cast %get3A_2 : vector<1x100x128xf32> to vector<100x128xf32>
    %get3A_4 = arith.constant 1 : index
    %get3A_5 = arith.constant 0 : index
    %get3A_6 = arith.constant 0 : index
    %get3A_7 = vector.load %arg2[%get3A_4, %get3A_5, %get3A_6] : memref<2x128x128xf32, #tpu.memory_space<vmem>>, vector<1x100x128xf32>
    %get3A_8 = vector.shape_cast %get3A_7 : vector<1x100x128xf32> to vector<100x128xf32>
    %add3A = arith.addf %get3A_3, %get3A_8 : vector<100x128xf32>
    %get3A_9 = arith.constant 0 : index
    %get3A_10 = arith.constant 0 : index
    %get3A_11 = vector.load %arg3[%get3A_9, %get3A_10] : memref<128x1xf32, #tpu.memory_space<vmem>>, vector<128x1xf32>
    %slice3A = vector.extract_strided_slice %get3A_11 {offsets = [0, 0], sizes = [100, 1], strides = [1, 1]} : vector<128x1xf32> to vector<100x1xf32>
    %max3A = arith.constant 1.000000e+00 : f32
    %max3A_12 = vector.broadcast %max3A : f32 to vector<100x1xf32>
    %max3A_13 = arith.maximumf %slice3A, %max3A_12 : vector<100x1xf32>
    %div3A = vector.broadcast %max3A_13 : vector<100x1xf32> to vector<100x128xf32>
    %div3A_14 = arith.divf %add3A, %div3A : vector<100x128xf32>
    %gt3A = arith.constant 0.000000e+00 : f32
    %gt3A_15 = vector.broadcast %gt3A : f32 to vector<100x1xf32>
    %gt3A_16 = arith.cmpf ogt, %slice3A, %gt3A_15 : vector<100x1xf32>
    %get3A_17 = arith.constant 0 : index
    %get3A_18 = arith.constant 0 : index
    %get3A_19 = vector.load %arg5[%get3A_17, %get3A_18] : memref<100x1xf32, #tpu.memory_space<vmem>>, vector<100x1xf32>
    %gt3A_20 = arith.constant 0.000000e+00 : f32
    %gt3A_21 = vector.broadcast %gt3A_20 : f32 to vector<100x1xf32>
    %gt3A_22 = arith.cmpf ogt, %get3A_19, %gt3A_21 : vector<100x1xf32>
    %get3A_23 = arith.constant 0 : index
    %get3A_24 = arith.constant 0 : index
    %get3A_25 = vector.load %arg4[%get3A_23, %get3A_24] : memref<100x128xf32, #tpu.memory_space<vmem>>, vector<100x128xf32>
    %mul3A = arith.constant 0.899999976 : f32
    %mul3A_26 = vector.broadcast %mul3A : f32 to vector<100x128xf32>
    %mul3A_27 = arith.mulf %mul3A_26, %get3A_25 : vector<100x128xf32>
    %mul3A_28 = arith.constant 1.000000e-01 : f32
    %mul3A_29 = vector.broadcast %mul3A_28 : f32 to vector<100x128xf32>
    %mul3A_30 = arith.mulf %mul3A_29, %div3A_14 : vector<100x128xf32>
    %add3A_31 = arith.addf %mul3A_27, %mul3A_30 : vector<100x128xf32>
    %broadcast_in_dim3A = vector.shape_cast %gt3A_22 : vector<100x1xi1> to vector<100x1xi1>
    %broadcast_in_dim3A_32 = vector.broadcast %broadcast_in_dim3A : vector<100x1xi1> to vector<100x128xi1>
    %select_n3A = arith.select %broadcast_in_dim3A_32, %add3A_31, %div3A_14 : vector<100x128xi1>, vector<100x128xf32>
    %broadcast_in_dim3A_33 = vector.shape_cast %gt3A_16 : vector<100x1xi1> to vector<100x1xi1>
    %broadcast_in_dim3A_34 = vector.broadcast %broadcast_in_dim3A_33 : vector<100x1xi1> to vector<100x128xi1>
    %select_n3A_35 = arith.select %broadcast_in_dim3A_34, %select_n3A, %get3A_25 : vector<100x128xi1>, vector<100x128xf32>
    %swap3A = arith.constant 0 : index
    %swap3A_36 = arith.constant 0 : index
    %swap3A_37 = vector.load %arg6[%swap3A, %swap3A_36] : memref<100x128xf32, #tpu.memory_space<vmem>>, vector<100x128xf32>
    tpu.vector_store %arg6[%swap3A, %swap3A_36], %select_n3A_35 {strides = array<i32>} : memref<100x128xf32, #tpu.memory_space<vmem>>, vector<100x128xf32>,
    %mul3A_38 = arith.mulf %select_n3A_35, %select_n3A_35 : vector<100x128xf32>
    %reduce_sum3A = arith.constant dense<0.000000e+00> : vector<100xf32>
    %reduce_sum3A_39 = vector.multi_reduction <add>, %mul3A_38, %reduce_sum3A [1] : vector<100x128xf32> to vector<100xf32>
    %broadcast_in_dim3A_40 = vector.shape_cast %reduce_sum3A_39 : vector<100xf32> to vector<100x1xf32>
    %sqrt3A = math.sqrt %broadcast_in_dim3A_40 : vector<100x1xf32>
    %max3A_41 = arith.constant 9.99999996E-13 : f32
    %max3A_42 = vector.broadcast %max3A_41 : f32 to vector<100x1xf32>
    %max3A_43 = arith.maximumf %sqrt3A, %max3A_42 : vector<100x1xf32>
    %div3A_44 = vector.broadcast %max3A_43 : vector<100x1xf32> to vector<100x128xf32>
    %div3A_45 = arith.divf %select_n3A_35, %div3A_44 : vector<100x128xf32>
    %get3A_46 = arith.constant 0 : index
    %get3A_47 = arith.constant 0 : index
    %get3A_48 = vector.load %arg1[%get3A_46, %get3A_47] : memref<4096x128xf32, #tpu.memory_space<vmem>>, vector<4096x128xf32>
    %mul3A_49 = arith.mulf %get3A_48, %get3A_48 : vector<4096x128xf32>
    %reduce_sum3A_50 = arith.constant dense<0.000000e+00> : vector<4096xf32>
    %reduce_sum3A_51 = vector.multi_reduction <add>, %mul3A_49, %reduce_sum3A_50 [1] : vector<4096x128xf32> to vector<4096xf32>
    %broadcast_in_dim3A_52 = vector.shape_cast %reduce_sum3A_51 : vector<4096xf32> to vector<4096x1xf32>
    %sqrt3A_53 = math.sqrt %broadcast_in_dim3A_52 : vector<4096x1xf32>
    %max3A_54 = arith.constant 9.99999996E-13 : f32
    %max3A_55 = vector.broadcast %max3A_54 : f32 to vector<4096x1xf32>
    %max3A_56 = arith.maximumf %sqrt3A_53, %max3A_55 : vector<4096x1xf32>
    %div3A_57 = vector.broadcast %max3A_56 : vector<4096x1xf32> to vector<4096x128xf32>
    %div3A_58 = arith.divf %get3A_48, %div3A_57 : vector<4096x128xf32>
    %dot_general3A = arith.constant dense<0.000000e+00> : vector<100x4096xf32>
    %dot_general3A_59 = tpu.matmul %div3A_45, %div3A_58, %dot_general3A {dimension_numbers = #tpu.dot_dimension_numbers<[1], [1], [0], [0], [0, 0, 1, 0], [], []>, transpose_lhs_hint = false} : vector<100x128xf32>, vector<4096x128xf32>, vector<100x4096xf32> -> vector<100x4096xf32>
    %reduce_max3A = arith.constant dense<0xFF800000> : vector<4096xf32>
    %reduce_max3A_60 = vector.multi_reduction <maximumf>, %dot_general3A_59, %reduce_max3A [0] : vector<100x4096xf32> to vector<4096xf32>
    %broadcast_in_dim3A_61 = vector.shape_cast %reduce_max3A_60 : vector<4096xf32> to vector<1x4096xf32>
    %argmax3A = tpu.reduce_index %dot_general3A_59 {axis = 0 : i32, kind = #tpu.reduction_kind<arg_max>} : vector<100x4096xf32> -> vector<4096xi32>
    %broadcast_in_dim3A_62 = vector.shape_cast %argmax3A : vector<4096xi32> to vector<1x4096xi32>
    %swap3A_63 = arith.constant 0 : index
    %swap3A_64 = arith.constant 0 : index
    %swap3A_65 = arith.constant 0 : index
    %swap3A_66 = vector.load %arg7[%swap3A_63, %swap3A_64, %swap3A_65] : memref<1x1x4096xi32, #tpu.memory_space<vmem>>, vector<1x1x4096xi32>
    %swap3A_67 = vector.shape_cast %swap3A_66 : vector<1x1x4096xi32> to vector<1x4096xi32>
    %swap3A_68 = vector.shape_cast %broadcast_in_dim3A_62 : vector<1x4096xi32> to vector<1x1x4096xi32>
    tpu.vector_store %arg7[%swap3A_63, %swap3A_64, %swap3A_65], %swap3A_68 {strides = array<i32>} : memref<1x1x4096xi32, #tpu.memory_space<vmem>>, vector<1x1x4096xi32>,
    %sub3A = arith.constant 1.000000e+00 : f32
    %sub3A_69 = vector.broadcast %sub3A : f32 to vector<1x4096xf32>
    %sub3A_70 = arith.subf %sub3A_69, %broadcast_in_dim3A_61 : vector<1x4096xf32>
    %swap3A_71 = arith.constant 0 : index
    %swap3A_72 = arith.constant 0 : index
    %swap3A_73 = arith.constant 0 : index
    %swap3A_74 = vector.load %arg8[%swap3A_71, %swap3A_72, %swap3A_73] : memref<1x1x4096xf32, #tpu.memory_space<vmem>>, vector<1x1x4096xf32>
    %swap3A_75 = vector.shape_cast %swap3A_74 : vector<1x1x4096xf32> to vector<1x4096xf32>
    %swap3A_76 = vector.shape_cast %sub3A_70 : vector<1x4096xf32> to vector<1x1x4096xf32>
    tpu.vector_store %arg8[%swap3A_71, %swap3A_72, %swap3A_73], %swap3A_76 {strides = array<i32>} : memref<1x1x4096xf32, #tpu.memory_space<vmem>>, vector<1x1x4096xf32>,
    return
  }
  func.func @transform_0(%arg0: i32) -> (i32, i32) {
    %c0_i32 = arith.constant 0 : i32
    %c0_i32_0 = arith.constant 0 : i32
    return %arg0, %c0_i32 : i32, i32
  }
  func.func @transform_1(%arg0: i32) -> (i32, i32, i32) {
    %c0_i32 = arith.constant 0 : i32
    %c0_i32_0 = arith.constant 0 : i32
    %c0_i32_1 = arith.constant 0 : i32
    %c0_i32_2 = arith.constant 0 : i32
    return %c0_i32, %c0_i32_0, %c0_i32_1 : i32, i32, i32
  }
  func.func @transform_2(%arg0: i32) -> (i32, i32) {
    %c0_i32 = arith.constant 0 : i32
    %c0_i32_0 = arith.constant 0 : i32
    %c0_i32_1 = arith.constant 0 : i32
    return %c0_i32, %c0_i32_0 : i32, i32
  }
  func.func @transform_3(%arg0: i32) -> (i32, i32) {
    %c0_i32 = arith.constant 0 : i32
    %c0_i32_0 = arith.constant 0 : i32
    %c0_i32_1 = arith.constant 0 : i32
    return %c0_i32, %c0_i32_0 : i32, i32
  }
  func.func @transform_4(%arg0: i32) -> (i32, i32) {
    %c0_i32 = arith.constant 0 : i32
    %c0_i32_0 = arith.constant 0 : i32
    %c0_i32_1 = arith.constant 0 : i32
    return %c0_i32, %c0_i32_0 : i32, i32
  }
  func.func @transform_5(%arg0: i32) -> (i32, i32) {
    %c0_i32 = arith.constant 0 : i32
    %c0_i32_0 = arith.constant 0 : i32
    %c0_i32_1 = arith.constant 0 : i32
    return %c0_i32, %c0_i32_0 : i32, i32
  }
  func.func @transform_6(%arg0: i32) -> (i32, i32, i32) {
    %c0_i32 = arith.constant 0 : i32
    %c0_i32_0 = arith.constant 0 : i32
    %c0_i32_1 = arith.constant 0 : i32
    return %arg0, %c0_i32, %c0_i32_0 : i32, i32, i32
  }
  func.func @transform_7(%arg0: i32) -> (i32, i32, i32) {
    %c0_i32 = arith.constant 0 : i32
    %c0_i32_0 = arith.constant 0 : i32
    %c0_i32_1 = arith.constant 0 : i32
    return %arg0, %c0_i32, %c0_i32_0 : i32, i32, i32
  }
}

</mosaic_0001>

<sc_bundles>
// kernel: kernel.5.cloned.1.call-start
scs
__scs_entry_jumppad:
0x0: {  	(pc) =	sbr.rel $0x88, $3  }
0x1: {  	(tag) =	ssettag $0x0;
	lr =	simm.s32 $0x1  }
0x2: {  	[smem:$0x3F9D] =	sst lr;
	_ =	strace $0xD0000000  }
0x3: {  	_ = 	snop  }
0x4: {  	_ = 	snop  }
0x5: {  	_ = 	snop  }
0x6: {  	_ = 	snop  }
0x7: {  	_ = 	snop  }
__scs_overlays_trampoline_lowered:
0x8: {  	[smem:$0x3FAC] =	sst s0  }
0x9: {  	[smem:$0x3FAD] =	sst s1  }
0xa: {  	[smem:$0x3FAE] =	sst s2  }
0xb: {  	[smem:$0x3FAF] =	sst s3  }
0xc: {  	[smem:$0x3FB0] =	sst s4  }
0xd: {  	[smem:$0x3FB1] =	sst s5  }
0xe: {  	[smem:$0x3FB2] =	sst s6  }
0xf: {  	[smem:$0x3FB3] =	sst s7  }
0x10: {  	[smem:$0x3FB4] =	sst s8  }
0x11: {  	[smem:$0x3FB5] =	sst s9;
	s0 =	simm.s32 @!p0 $0x0  }
0x12: {  	s1 =	sld [smem:$0x3F9B];
	s0 =	simm.s32 @p0 $0x1  }
0x13: {  	[smem:$0x3FB6] =	sst s0;
	s0 =	simm.s32 @!p1 $0x0  }
0x14: {  	s2 =	sld [smem:$0x3F9A];
	s0 =	simm.s32 @p1 $0x1  }
0x15: {  	[smem:$0x3FB7] =	sst s0;
	s0 =	simm.s32 @!p2 $0x0  }
0x16: {  	s3 =	sld [smem:$0x3FDB];
	s0 =	simm.s32 @p2 $0x1  }
0x17: {  	s4 =	simm.s32 $0x1BF5;
	[smem:$0x3FB9] =	sst s0  }
0x18: {  	s0 =	sld [smem:$0x3F9C];
	_ =	swait.ge [sflag:s4], $0x0  }
0x19: {  	s7 =	sld [smem:$0x3F9D]  }
0x1a: {  	s8 =	sadd.s32 $0xFFFFE003, lr  }
0x1b: {  	s9 =	sadd.s32 $0xFFFFFEF7, lr;
	s5 =	simm.s32 $0xFFFFFFFF;
	p2 =	slt.u32 s8, $0xFFFFF086  }
0x1c: {  	p1 =	slt.u32 s9, $0xF7A;
	s5 =	simm.s32 @!p2 $0x0  }
0x1d: {  	s5 =	simm.s32 @p1 $0x1;
	p0 =	seq.s32 s7, s2  }
0x1e: {  	s7 =	smul.u32 @!p0 $0xF7A, s2;
	p2 =	seq.s32 @!p0 s5, $0x0  }
0x1f: {  	s9 =	smul.u32 $0xF7A, s1;
	s8 =	simm.s32 @!p0 $0x1BF5;
	p2 =	por !p2, p0  }
0x20: {  	[sflag:s8] =	ssyncset.s32 @!p0 $0xFFFFF086;
	s6 =	sadd.s32 @!p0 s3, s7;
	s7 =	simm.s32 @!p0 $0x108  }
0x21: {  	s3 =	sadd.s32 s3, s9;
	s6 =	sadd.s32 @!p0 $0x88, s6;
	s7 =	simm.s32 @p2 $0x1082  }
0x22: {  	[simem:s7], [sflag:s8] =	dma.local @!p0 [hbm:s6], $0xF7A  }
0x23: {  	s9 =	sor.u32 $0xD0000000, s2;
	s6 =	simm.s32 $0x108;
	_ =	swait.ge @!p0 [sflag:s8], $0x0  }
0x24: {  	s3 =	sadd.s32 $0x88, s3;
	s6 =	simm.s32 @!p1 $0x1082;
	[sflag:s4] =	ssyncset.s32 $0xFFFFF086  }
0x25: {  	[simem:s6], [sflag:s4] =	dma.local [hbm:s3], $0xF7A  }
0x26: {  	[smem:$0x3F9D] =	sst s1;
	(tag) =	ssettag s2;
	_ =	strace s9  }
0x27: {  	s1 =	sld [smem:$0x3FAD]  }
0x28: {  	s2 =	sld [smem:$0x3FAE]  }
0x29: {  	s4 =	sld [smem:$0x3FB0]  }
0x2a: {  	p0 =	seq.s32 s5, $0x0;
	s5 =	sld [smem:$0x3FB1]  }
0x2b: {  	s6 =	sld [smem:$0x3FB2]  }
0x2c: {  	s7 =	sld [smem:$0x3FB3]  }
0x2d: {  	s3 =	simm.s32 $0x108;
	s8 =	sld [smem:$0x3FB4]  }
0x2e: {  	s3 =	simm.s32 @!p0 $0x1082;
	s9 =	sld [smem:$0x3FB5]  }
0x2f: {  	lr =	sadd.s32 s0, s3;
	s0 =	sld [smem:$0x3FAC]  }
0x30: {  	s3 =	sld [smem:$0x3FAF]  }
0x31: {  	[smem:$0x3FB8] =	sst s10  }
0x32: {  	s10 =	sld [smem:$0x3FB6];
	_ =	sdelay $0x3  }
0x33: {  	p0 =	seq.s32 s10, $0x1;
	s10 =	sld [smem:$0x3FB8];
	_ =	sdelay $0x3  }
0x34: {  	[smem:$0x3FB8] =	sst s10  }
0x35: {  	s10 =	sld [smem:$0x3FB7];
	_ =	sdelay $0x3  }
0x36: {  	p1 =	seq.s32 s10, $0x1;
	s10 =	sld [smem:$0x3FB8];
	_ =	sdelay $0x3  }
0x37: {  	[smem:$0x3FB8] =	sst s10  }
0x38: {  	s10 =	sld [smem:$0x3FB9]  }
0x39: {  	_ = 	snop;
	(pc) =	sbr.ind lr, $3  }
0x3a: {  	_ = 	snop  }
0x3b: {  	_ = 	snop  }
0x3c: {  	p2 =	seq.s32 s10, $0x1;
	s10 =	sld [smem:$0x3FB8]  }
0x3d: {  	_ =	shalt  }
0x3e: {  	_ =	shalt  }
0x3f: {  	_ =	shalt  }
0x40: {  	_ =	shalt  }
0x41: {  	_ =	shalt  }
0x42: {  	_ =	shalt  }
0x43: {  	_ =	shalt  }
0x44: {  	_ =	shalt  }
0x45: {  	_ =	shalt  }
0x46: {  	_ =	shalt  }
0x47: {  	_ =	shalt  }
0x48: {  	_ =	shalt  }
0x49: {  	_ =	shalt  }
0x4a: {  	_ =	shalt  }
0x4b: {  	_ =	shalt  }
0x4c: {  	_ =	shalt  }
0x4d: {  	_ =	shalt  }
0x4e: {  	_ =	shalt  }
0x4f: {  	_ =	shalt  }
0x50: {  	_ =	shalt  }
0x51: {  	_ =	shalt  }
0x52: {  	_ =	shalt  }
0x53: {  	_ =	shalt  }
0x54: {  	_ =	shalt  }
0x55: {  	_ =	shalt  }
0x56: {  	_ =	shalt  }
0x57: {  	_ =	shalt  }
0x58: {  	_ =	shalt  }
0x59: {  	_ =	shalt  }
0x5a: {  	_ =	shalt  }
0x5b: {  	_ =	shalt  }
0x5c: {  	_ =	shalt  }
0x5d: {  	_ =	shalt  }
0x5e: {  	_ =	shalt  }
0x5f: {  	_ =	shalt  }
0x60: {  	_ =	shalt  }
0x61: {  	_ =	shalt  }
0x62: {  	_ =	shalt  }
0x63: {  	_ =	shalt  }
0x64: {  	_ =	shalt  }
0x65: {  	_ =	shalt  }
0x66: {  	_ =	shalt  }
0x67: {  	_ =	shalt  }
0x68: {  	_ =	shalt  }
0x69: {  	_ =	shalt  }
0x6a: {  	_ =	shalt  }
0x6b: {  	_ =	shalt  }
0x6c: {  	_ =	shalt  }
0x6d: {  	_ =	shalt  }
0x6e: {  	_ =	shalt  }
0x6f: {  	_ =	shalt  }
0x70: {  	_ =	shalt  }
0x71: {  	_ =	shalt  }
0x72: {  	_ =	shalt  }
0x73: {  	_ =	shalt  }
0x74: {  	_ =	shalt  }
0x75: {  	_ =	shalt  }
0x76: {  	_ =	shalt  }
0x77: {  	_ =	shalt  }
0x78: {  	_ =	shalt  }
0x79: {  	_ =	shalt  }
0x7a: {  	_ =	shalt  }
0x7b: {  	_ =	shalt  }
0x7c: {  	_ =	shalt  }
0x7d: {  	_ =	shalt  }
0x7e: {  	_ =	shalt  }
0x7f: {  	_ =	shalt  }
0x80: {  	_ =	shalt  }
0x81: {  	_ =	shalt  }
0x82: {  	_ =	shalt  }
0x83: {  	_ =	shalt  }
0x84: {  	_ =	shalt  }
0x85: {  	_ =	shalt  }
0x86: {  	_ =	shalt  }
0x87: {  	_ =	shalt  }
.Lfunc_end0:
.L_simem_size_0:
called_computation_lowered:
.L_overlay_start_0:
0x88: {  	s2 =	sld [smem:$0x3FD9]  }
0x89: {  	s3 =	sld [smem:$0x3FFE];
	_ =	sdelay $0x1  }
0x8a: {  	s1 =	srdreg.scid  }
0x8b: {  	s0 =	sand.u32 $0x1, s1  }
0x8c: {  	s17 =	sshll.u32 s0, $0xA;
	s2 =	sadd.s32 s3, s2  }
0x8d: {  	s2 =	sadd.s32 s2, s17  }
0x8e: {  	[smem:$0x3FC4] =	sst s2  }
0x8f: {  	_ = 	snop  }
0x90: {  	s2 =	sld [smem:$0x3FC9]  }
0x91: {  	s18 =	sld [smem:$0x3FC8];
	(tm) =	ssettm $0x1  }
0x92: {  	s4 =	sld [smem:$0x3FFB];
	_ =	sdelay $0x3  }
0x93: {  	_ =	strace s4  }
0x94: {  	s4 =	sld [smem:$0x3FFC];
	_ =	sdelay $0x3  }
0x95: {  	_ =	strace s4  }
0x96: {  	s4 =	sld [smem:$0x3FFD];
	_ =	sdelay $0x3  }
0x97: {  	_ =	strace s4  }
0x98: {  	_ =	strace $0x8FFFFFFF  }
0x99: {  	s19 =	sld [smem:$0x3FDB];
	_ =	sdelay $0x1  }
0x9a: {  	s5 =	simm.s32 $_scs_section_size  }
0x9b: {  	s6 =	simm.s32 $_size__tile_overlayer_lowered;
	s7 =	simm.s32 $_tile_overlayer_lowered  }
0x9c: {  	s22 =	simm.s32 $0x1BFF;
	s21 =	sshll.u32 s7, $0x1;
	s4 =	sadd.s32 s5, s19  }
0x9d: {  	s8 =	simm.s32 $0x0;
	s20 =	sshll.u32 s6, $0x1;
	s6 =	sadd.s32 s21, s4  }
0x9e: {  	[timem:s8], [sflag:s22] =	dma.local [hbm:s6], s20  }
0x9f: {  	_ =	swait.ge [sflag:s22], s20  }
0xa0: {  	s5 =	ssub.s32 $0x0, s20;
	[sflag:s22] =	ssyncset.done $0x0  }
0xa1: {  	[sflag:s22] =	ssyncadd.s32 s5;
	_ =	sdelay $0x1  }
0xa2: {  	s23 =	simm.s32 $0x1B8B  }
0xa3: {  	_ =	swait.ge [sflag:s23], $0x1  }
0xa4: {  	[sflag:s23] =	ssyncset.done $0x0  }
0xa5: {  	s25 =	simm.s32 $0x1B8E;
	s24 =	sld [smem:$0x3FFE];
	[sflag:s23] =	ssyncadd.s32 $0xFFFFFFFF  }
0xa6: {  	s26 =	simm.s32 $execute0_lowered;
	[smem:$0x3FD2] =	sst s25  }
0xa7: {  	s6 =	sshll.u32 s26, $0x1;
	_ =	strace $0x80000046;
	[dreg:$0x1] =	wrdreg $0xFFFFFFFF  }
0xa8: {  	s28 =	simm.s32 $_size_execute0_lowered;
	s4 =	sadd.s32 s4, s6;
	[dreg:$0x0] =	wrdreg $0x0  }
0xa9: {  	s6 =	sshll.u32 s28, $0x1;
	[dreg:$0x2] =	wrdreg s4  }
0xaa: {  	[dreg:$0x3] =	wrdreg s6  }
0xab: {  	[dreg:$0x4] =	wrdreg $0xC0  }
0xac: {  	_ =	task [dreg:s8], $0x5FFFF  }
0xad: {  	[dreg:$0x1] =	wrdreg $0xFFFFFFFF  }
0xae: {  	[dreg:$0x0] =	wrdreg $0x60  }
0xaf: {  	[dreg:$0x2] =	wrdreg s2  }
0xb0: {  	[dreg:$0x3] =	wrdreg s18  }
0xb1: {  	[dreg:$0x4] =	wrdreg s24  }
0xb2: {  	[dreg:$0x5] =	wrdreg $0x106000  }
0xb3: {  	[dreg:$0x6] =	wrdreg $0x9  }
0xb4: {  	_ =	task.clear_ibuf [dreg:s8], $0x7FFFF;
	_ =	strace $0x90000046  }
0xb5: {  	s29 =	simm.s32 $0x9;
	_ =	strace $0x80000048  }
0xb6: {  	_ =	swait.ge [sflag:s29], $0x1  }
0xb7: {  	[sflag:s29] =	ssyncadd.s32 $0xFFFFFFFF  }
0xb8: {  	_ =	strace $0x90000048  }
0xb9: {  	_ =	sfence  }
0xba: {  	s30 =	sld [smem:$0x0];
	_ =	sdelay $0x2  }
0xbb: {  	s31 =	sshll.u32 s1, $0xD;
	s1 =	sshrl.u32 s1, $0x2  }
0xbc: {  	s3 =	sand.u32 $0x4000, s31;
	s1 =	sadd.s32 s1, s30  }
0xbd: {  	s0 =	sor.u32 s3, s0;
	s1 =	sshll.u32 s1, $0x11  }
0xbe: {  	s0 =	sor.u32 s1, s0  }
0xbf: {  	s0 =	sadd.s32 $0x8F2B, s0  }
0xc0: {  	[sflag:s0] =	ssyncadd.remote.s32 $0x1  }
0xc1: {  	_ =	sfence.sel $0xFFFF  }
0xc2: {  	[dreg:$0x0] =	wrdreg $0xFFFFFFFF;
	(pc) =	sbr.abs _section_cstart, $3  }
0xc3: {  	[dreg:$0x1] =	wrdreg $0xFFFFFFFF  }
0xc4: {  	_ =	task.clear_ibuf [dreg:s8], $0x2FFFF;
	_ =	strace $0x9FFFFFFF  }
0xc5: {  	(tm) =	ssettm $0x7FFFFFFF  }
tec
execute0_lowered:
.L_overlay_start_1:
0x0: {  	(tag) =	ssettag $0x1  }
0x1: {  	s9 =	rddreg [dreg:$0x0]  }
0x2: {  	s8 =	rddreg [dreg:$0x1]  }
0x3: {  	s4 =	rddreg [dreg:$0x2]  }
0x4: {  	s1 =	rddreg [dreg:$0x3]  }
0x5: {  	s0 =	rddreg [dreg:$0x4];
	s3 =	simm.s32 $0x0;
	s5 =	srdreg.scid  }
0x6: {  	s2 =	stileid.u32;
	s15 =	simm.s32 $0x4000;
	s16 =	simm.s32 $0x10100  }
0x7: {  	s17 =	simm.s32 $0x8000;
	s18 =	simm.s32 $0x10180;
	s28 =	simm.s32 $0x5  }
0x8: {  	[smem:$0x7FF] =	sst s3;
	s10 =	sand.u32 $0x1, s5;
	s6 =	sshll.u32 s2, $0x9  }
0x9: {  	s7 =	sshll.u32 s2, $0x7;
	s31 =	sshll.u32 s2, $0xA;
	_ =	strace $0x80000047  }
0xa: {  	s5 =	sshll.u32 s10, $0xD;
	s11 =	ssub.s32 $0x2, s10;
	s12 =	sadd.s32 s7, s4  }
0xb: {  	s10 =	sshll.u32 s10, $0xB;
	s6 =	sor.u32 s6, s5;
	s19 =	sshrl.u32 s11, $0x1  }
0xc: {  	s12 =	sadd.s32 s10, s12;
	s10 =	sadd.s32 s31, s1;
	s5 =	sshrl.u32 s6, $0x3  }
0xd: {  	s13 =	ssub.s32 s11, s19;
	s21 =	sshll.u32 s6, $0x4;
	s23 =	sor.u32 $0x80, s6  }
0xe: {  	s25 =	sor.u32 $0x100, s6;
	s14 =	sor.u32 $0x180, s6;
	s11 =	sadd.s32 $0x1000, s12  }
0xf: {  	s19 =	simm.s32 $0xC000;
	s20 =	sadd.s32 s8, s5;
	s22 =	sadd.s32 s9, s21  }
0x10: {  	s24 =	sshrl.u32 s23, $0x3;
	s5 =	sshll.u32 s23, $0x4;
	s26 =	sshrl.u32 s25, $0x3  }
0x11: {  	s7 =	sshll.u32 s25, $0x4;
	s29 =	sshrl.u32 s14, $0x3;
	s30 =	sshll.u32 s14, $0x4  }
0x12: {  	s12 =	smax.u32 s13, $0x1;
	s13 =	simm.s32 $0x10000;
	s14 =	simm.s32 $0x10080  }
0x13: {  	s21 =	simm.s32 $0x6;
	s23 =	simm.s32 $0x80;
	[dreg:$0x5] =	wrdreg s20  }
0x14: {  	s25 =	simm.s32 $0x3;
	[dreg:$0x6] =	wrdreg s22;
	s4 =	sadd.s32 s8, s24  }
0x15: {  	s5 =	sadd.s32 s9, s5;
	s6 =	sadd.s32 s8, s26;
	s7 =	sadd.s32 s9, s7  }
0x16: {  	s8 =	sadd.s32 s8, s29;
	s9 =	sadd.s32 s9, s30;
	s20 =	simm.s32 $0x10200  }
0x17: {  	v0 =	vimm.f32 $0.0e+00;
	s22 =	simm.s32 $0x1;
	s24 =	simm.s32 $0x2;
	s26 =	simm.s32 $0x4  }
.LBB2_1:
0x18: {  	s29 =	rddreg [dreg:$0x5]  }
0x19: {  	[tilespmem:s13], [sflag:$0x1] =	stream.linear.gather [hbm4b:s29+s3], $0x80, $0x38;
	[tilespmem:$0x10A00] =	vst v63  }
0x1a: {  	s30 =	rddreg [dreg:$0x6]  }
0x1b: {  	[tilespmem:s3], [sflag:$0x1] =	stream.linear.gather [hbm4b:s30+s3], $0x4000, $0x38;
	[tilespmem:$0x10A00] =	vst v63  }
0x1c: {  	_ = 	snop  }
0x1d: {  	[tilespmem:s14], [sflag:$0x2] =	stream.linear.gather [hbm4b:s4+s3], $0x80, $0x38;
	[tilespmem:$0x10A00] =	vst v63  }
0x1e: {  	_ = 	snop  }
0x1f: {  	[tilespmem:s15], [sflag:$0x2] =	stream.linear.gather [hbm4b:s5+s3], $0x4000, $0x38;
	[tilespmem:$0x10A00] =	vst v63  }
0x20: {  	_ = 	snop  }
0x21: {  	[tilespmem:s16], [sflag:$0x3] =	stream.linear.gather [hbm4b:s6+s3], $0x80, $0x38;
	[tilespmem:$0x10A00] =	vst v63  }
0x22: {  	_ = 	snop  }
0x23: {  	[tilespmem:s17], [sflag:$0x3] =	stream.linear.gather [hbm4b:s7+s3], $0x4000, $0x38;
	[tilespmem:$0x10A00] =	vst v63  }
0x24: {  	_ = 	snop  }
0x25: {  	[tilespmem:s18], [sflag:$0x4] =	stream.linear.gather [hbm4b:s8+s3], $0x80, $0x38;
	[tilespmem:$0x10A00] =	vst v63  }
0x26: {  	_ = 	snop  }
0x27: {  	[tilespmem:s19], [sflag:$0x4] =	stream.linear.gather [hbm4b:s9+s3], $0x4000, $0x38;
	[tilespmem:$0x10A00] =	vst v63  }
0x28: {  	[tilespmem:$0x10200] =	vst v0  }
0x29: {  	[tilespmem:$0x10210] =	vst v0  }
0x2a: {  	[tilespmem:$0x10220] =	vst v0  }
0x2b: {  	[tilespmem:$0x10230] =	vst v0  }
0x2c: {  	[tilespmem:$0x10240] =	vst v0  }
0x2d: {  	[tilespmem:$0x10250] =	vst v0  }
0x2e: {  	[tilespmem:$0x10260] =	vst v0  }
0x2f: {  	[tilespmem:$0x10270] =	vst v0  }
0x30: {  	[tilespmem:$0x10280] =	vst v0  }
0x31: {  	[tilespmem:$0x10290] =	vst v0  }
0x32: {  	[tilespmem:$0x102A0] =	vst v0  }
0x33: {  	[tilespmem:$0x102B0] =	vst v0  }
0x34: {  	[tilespmem:$0x102C0] =	vst v0  }
0x35: {  	[tilespmem:$0x102D0] =	vst v0  }
0x36: {  	[tilespmem:$0x102E0] =	vst v0  }
0x37: {  	[tilespmem:$0x102F0] =	vst v0  }
0x38: {  	[tilespmem:$0x10300] =	vst v0  }
0x39: {  	[tilespmem:$0x10310] =	vst v0  }
0x3a: {  	[tilespmem:$0x10320] =	vst v0  }
0x3b: {  	[tilespmem:$0x10330] =	vst v0  }
0x3c: {  	[tilespmem:$0x10340] =	vst v0  }
0x3d: {  	[tilespmem:$0x10350] =	vst v0  }
0x3e: {  	[tilespmem:$0x10360] =	vst v0  }
0x3f: {  	[tilespmem:$0x10370] =	vst v0  }
0x40: {  	[tilespmem:$0x10380] =	vst v0  }
0x41: {  	[tilespmem:$0x10390] =	vst v0  }
0x42: {  	[tilespmem:$0x103A0] =	vst v0  }
0x43: {  	[tilespmem:$0x103B0] =	vst v0  }
0x44: {  	[tilespmem:$0x103C0] =	vst v0  }
0x45: {  	[tilespmem:$0x103D0] =	vst v0  }
0x46: {  	[tilespmem:$0x103E0] =	vst v0  }
0x47: {  	[tilespmem:$0x103F0] =	vst v0  }
0x48: {  	[tilespmem:$0x10400] =	vst v0  }
0x49: {  	[tilespmem:$0x10410] =	vst v0  }
0x4a: {  	[tilespmem:$0x10420] =	vst v0  }
0x4b: {  	[tilespmem:$0x10430] =	vst v0  }
0x4c: {  	[tilespmem:$0x10440] =	vst v0  }
0x4d: {  	[tilespmem:$0x10450] =	vst v0  }
0x4e: {  	[tilespmem:$0x10460] =	vst v0  }
0x4f: {  	[tilespmem:$0x10470] =	vst v0  }
0x50: {  	[tilespmem:$0x10480] =	vst v0  }
0x51: {  	[tilespmem:$0x10490] =	vst v0  }
0x52: {  	[tilespmem:$0x104A0] =	vst v0  }
0x53: {  	[tilespmem:$0x104B0] =	vst v0  }
0x54: {  	[tilespmem:$0x104C0] =	vst v0  }
0x55: {  	[tilespmem:$0x104D0] =	vst v0  }
0x56: {  	[tilespmem:$0x104E0] =	vst v0  }
0x57: {  	[tilespmem:$0x104F0] =	vst v0  }
0x58: {  	[tilespmem:$0x10500] =	vst v0  }
0x59: {  	[tilespmem:$0x10510] =	vst v0  }
0x5a: {  	[tilespmem:$0x10520] =	vst v0  }
0x5b: {  	[tilespmem:$0x10530] =	vst v0  }
0x5c: {  	[tilespmem:$0x10540] =	vst v0  }
0x5d: {  	[tilespmem:$0x10550] =	vst v0  }
0x5e: {  	[tilespmem:$0x10560] =	vst v0  }
0x5f: {  	[tilespmem:$0x10570] =	vst v0  }
0x60: {  	[tilespmem:$0x10580] =	vst v0  }
0x61: {  	[tilespmem:$0x10590] =	vst v0  }
0x62: {  	[tilespmem:$0x105A0] =	vst v0  }
0x63: {  	[tilespmem:$0x105B0] =	vst v0  }
0x64: {  	[tilespmem:$0x105C0] =	vst v0  }
0x65: {  	[tilespmem:$0x105D0] =	vst v0  }
0x66: {  	[tilespmem:$0x105E0] =	vst v0  }
0x67: {  	[tilespmem:$0x105F0] =	vst v0  }
0x68: {  	[spmem:s10] =	stream.linear.scatter [tilespmem:s20], [sflag:$0x6], $0x400, $0x38;
	[tilespmem:$0x10A00] =	vst v63  }
0x69: {  	_ =	swait.ge [sflag:s21], $0x400  }
0x6a: {  	[sflag:s21] =	ssyncset.done $0x0  }
0x6b: {  	[sflag:s21] =	ssyncadd.s32 $0xFFFFFC00  }
0x6c: {  	[bflag:$0x0] =	sbarrier.arrive $0xFFFF  }
0x6d: {  	_ =	swait.ge [sflag:s22], $0x80  }
0x6e: {  	[sflag:s22] =	ssyncset.done $0x0  }
0x6f: {  	[sflag:s22] =	ssyncadd.s32 $0xFFFFFF80  }
0x70: {  	_ =	swait.ge [sflag:s22], $0x4000  }
0x71: {  	[sflag:s22] =	ssyncset.done $0x0  }
0x72: {  	[sflag:s22] =	ssyncadd.s32 $0xFFFFC000  }
0x73: {  	[spmem:s1] =	stream.indirect.scatter.add.f32 [tilespmem:s3], [sflag:$0x5], $0x80, s13, s23, $0xb8;
	[tilespmem:$0x10A00] =	vst v63  }
0x74: {  	_ =	swait.ge [sflag:s24], $0x80  }
0x75: {  	[sflag:s24] =	ssyncset.done $0x0  }
0x76: {  	[sflag:s24] =	ssyncadd.s32 $0xFFFFFF80  }
0x77: {  	_ =	swait.ge [sflag:s24], $0x4000  }
0x78: {  	[sflag:s24] =	ssyncset.done $0x0  }
0x79: {  	[sflag:s24] =	ssyncadd.s32 $0xFFFFC000  }
0x7a: {  	[spmem:s1] =	stream.indirect.scatter.add.f32 [tilespmem:s15], [sflag:$0x5], $0x80, s14, s23, $0xb8;
	[tilespmem:$0x10A00] =	vst v63  }
0x7b: {  	_ =	swait.ge [sflag:s25], $0x80  }
0x7c: {  	[sflag:s25] =	ssyncset.done $0x0  }
0x7d: {  	[sflag:s25] =	ssyncadd.s32 $0xFFFFFF80  }
0x7e: {  	_ =	swait.ge [sflag:s25], $0x4000  }
0x7f: {  	[sflag:s25] =	ssyncset.done $0x0  }
0x80: {  	[sflag:s25] =	ssyncadd.s32 $0xFFFFC000  }
0x81: {  	[spmem:s1] =	stream.indirect.scatter.add.f32 [tilespmem:s17], [sflag:$0x5], $0x80, s16, s23, $0xb8;
	[tilespmem:$0x10A00] =	vst v63  }
0x82: {  	_ =	swait.ge [sflag:s26], $0x80  }
0x83: {  	[sflag:s26] =	ssyncset.done $0x0  }
0x84: {  	[sflag:s26] =	ssyncadd.s32 $0xFFFFFF80  }
0x85: {  	_ =	swait.ge [sflag:s26], $0x4000  }
0x86: {  	[sflag:s26] =	ssyncset.done $0x0  }
0x87: {  	[sflag:s26] =	ssyncadd.s32 $0xFFFFC000  }
0x88: {  	[spmem:s1] =	stream.indirect.scatter.add.f32 [tilespmem:s19], [sflag:$0x5], $0x80, s18, s23, $0xb8;
	[tilespmem:$0x10A00] =	vst v63  }
0x89: {  	_ =	swait.ge [sflag:s28], $0x4000  }
0x8a: {  	[sflag:s28] =	ssyncset.done $0x0  }
0x8b: {  	[sflag:s28] =	ssyncadd.s32 $0xFFFFC000  }
0x8c: {  	_ =	swait.ge [sflag:s28], $0x4000  }
0x8d: {  	[sflag:s28] =	ssyncset.done $0x0  }
0x8e: {  	[sflag:s28] =	ssyncadd.s32 $0xFFFFC000  }
0x8f: {  	_ =	swait.ge [sflag:s28], $0x4000  }
0x90: {  	[sflag:s28] =	ssyncset.done $0x0  }
0x91: {  	[sflag:s28] =	ssyncadd.s32 $0xFFFFC000  }
0x92: {  	_ =	swait.ge [sflag:s28], $0x4000  }
0x93: {  	s31 =	sshrl.u32 s10, $0x3;
	[sflag:s28] =	ssyncset.done $0x0  }
0x94: {  	p0 =	sne.s32 s12, $0x1;
	s30 =	sshll.u32 s2, $0x6;
	[sflag:s28] =	ssyncadd.s32 $0xFFFFC000  }
.Ltmp0:
0x95: {  	s29 =	sor.u32 $0x1C06, s30;
	[bflag:$0x0] =	sbarrier.arrive $0xFFFF;
	(pc) =	sbr.rel @p0 .LBB2_1-.Ltmp0, $4  }
0x96: {  	[hbm:s11], [sflag:s29] =	dma.local [spmem:s31], $0x80  }
0x97: {  	_ =	swait.ge [sflag:s21], $0x80  }
0x98: {  	[sflag:s21] =	ssyncset.done $0x0  }
0x99: {  	s12 =	sadd.s32 $0xFFFFFFFF, s12;
	[sflag:s21] =	ssyncadd.s32 $0xFFFFFF80  }
0x9a: {  	_ =	sfence.sel $0x180000  }
0x9b: {  	[bflag:$0x0] =	sbarrier.arrive $0xFFFF  }
0x9c: {  	p0 =	sne.s32 s2, $0x0;
	_ =	strace $0x90000047  }
0x9d: {  	s0 =	sadd.s32 @!p0 $0x100000, s0;
	[bflag:$0x2] =	sbarrier.arrive $0xFFFF  }
0x9e: {  	[sflag:s0] =	ssyncadd.tile.s32 @!p0 $0x1;
	_ =	shalt  }
.Lfunc_end2:
_tile_overlayer_lowered:
.L_overlay_start_2:
0x9f: {  	(tag) =	ssettag $0x2  }
0xa0: {  	s0 =	rddreg [dreg:$0x0];
	s2 =	stileid.u32  }
0xa1: {  	s1 =	rddreg [dreg:$0x1];
	p0 =	sne.s32 s2, $0x0  }
0xa2: {  	s3 =	rddreg [dreg:$0x2];
	[bflag:$0x3] =	sbarrier.arrive $0xFFFF;
	s2 =	simm.s32 @!p0 $0x1C06  }
0xa3: {  	[timem:s3], [sflag:s2] =	dma.local @!p0 [hbm:s0], s1  }
0xa4: {  	s0 =	simm.s32 @!p0 $0x6  }
0xa5: {  	_ =	swait.ge @!p0 [sflag:s0], s1  }
0xa6: {  	s1 =	ssub.s32 @!p0 $0x0, s1;
	[sflag:s0] =	ssyncset.done @!p0 $0x0  }
0xa7: {  	[sflag:s0] =	ssyncadd.s32 @!p0 s1  }
0xa8: {  	[bflag:$0x3] =	sbarrier.arrive $0xFFFF  }
0xa9: {  	_ =	shalt  }

</sc_bundles>
